<compile_context>
chip_gen: v7x
topology: tpu7x:2x2x1
jax: 0.10.2.dev20260603
libtpu: 0.0.44.dev20260713+nightly
codegen_flags: <defaults>
</compile_context>

<pallas_src>
import functools

import jax
import jax.numpy as jnp
from jax import lax
from jax.experimental import pallas as pl
from jax.experimental.pallas import tpu as pltpu
from jax.experimental.pallas import tpu_sc as plsc

_N = 8192
_K = 8192
_C = 256
_RB = 256
_KB = 2048
_SB = 512
_RSTEPS = _N // _RB
_KSTEPS = _K // _KB

_NW = 32
_BPW = _N // _NW
_JCH = _BPW // 128


def _vq_body(x_ref, cb_ref, x2_ref, c2_ref, idx_ref, loss_ref,
             colf_ref, accv_ref, acci_ref, acc_ref):
    j = pl.program_id(0)
    i = pl.program_id(1)
    rs = pl.ds(i * _RB, _RB)
    x = x_ref[rs, :]
    x2 = x2_ref[rs, :]

    @pl.when(jnp.logical_and(i == 0, j == 0))
    def _():
        colf_ref[...] = lax.broadcasted_iota(
            jnp.int32, (_RB, _KB), 1).astype(jnp.float32)

    run_m = None
    run_f = None
    for s in range(_KB // _SB):
        cbs = cb_ref[pl.ds(s * _SB, _SB), :]
        xc = lax.dot_general(x, cbs, (((1,), (1,)), ((), ())),
                             preferred_element_type=jnp.float32,
                             precision=lax.Precision.DEFAULT)
        c2 = c2_ref[:, pl.ds(s * _SB, _SB)]
        dist = (x2 - 2.0 * xc) + c2
        m_s = jnp.min(dist, axis=1, keepdims=True)
        f_s = jnp.min(
            jnp.where(dist == m_s, colf_ref[:, pl.ds(s * _SB, _SB)],
                      float(_K)), axis=1, keepdims=True)
        if s == 0:
            run_m, run_f = m_s, f_s
        else:
            b = m_s < run_m
            run_f = jnp.where(b, f_s, run_f)
            run_m = jnp.where(b, m_s, run_m)
    vmin = run_m
    pidx = run_f.astype(jnp.int32) + j * _KB

    @pl.when(j == 0)
    def _():
        accv_ref[rs, :] = vmin
        acci_ref[rs, :] = pidx

    @pl.when(j > 0)
    def _():
        prevv = accv_ref[rs, :]
        thr = prevv.astype(jnp.bfloat16).astype(jnp.float32)
        take = vmin < thr
        accv_ref[rs, :] = jnp.where(take, vmin, prevv)
        acci_ref[rs, :] = jnp.where(take, pidx, acci_ref[rs, :])

    @pl.when(jnp.logical_and(i == 0, j == 0))
    def _():
        acc_ref[...] = jnp.zeros((1, 1), jnp.float32)

    @pl.when(j == _KSTEPS - 1)
    def _():
        idx_ref[...] = acci_ref[rs, :]
        acc_ref[...] = acc_ref[...] + jnp.sum(accv_ref[rs, :])

    @pl.when(jnp.logical_and(i == _RSTEPS - 1, j == _KSTEPS - 1))
    def _():
        loss_ref[...] = acc_ref[...] * (1.0 / (_N * _C))


def _vq_tc(x_flat, codebook, x2, c2):
    return pl.pallas_call(
        _vq_body,
        grid=(_KSTEPS, _RSTEPS),
        in_specs=[
            pl.BlockSpec((_N, _C), lambda j, i: (0, 0)),
            pl.BlockSpec((_KB, _C), lambda j, i: (j, 0)),
            pl.BlockSpec((_N, 1), lambda j, i: (0, 0)),
            pl.BlockSpec((1, _KB), lambda j, i: (0, j)),
        ],
        out_specs=[
            pl.BlockSpec((_RB, 1), lambda j, i: (i, 0)),
            pl.BlockSpec((1, 1), lambda j, i: (0, 0)),
        ],
        out_shape=[
            jax.ShapeDtypeStruct((_N, 1), jnp.int32),
            jax.ShapeDtypeStruct((1, 1), jnp.float32),
        ],
        scratch_shapes=[
            pltpu.VMEM((_RB, _KB), jnp.float32),
            pltpu.VMEM((_N, 1), jnp.float32),
            pltpu.VMEM((_N, 1), jnp.int32),
            pltpu.VMEM((1, 1), jnp.float32),
        ],
        compiler_params=pltpu.CompilerParams(
            dimension_semantics=("arbitrary", "arbitrary"),
        ),
    )(x_flat, codebook, x2, c2)


def _sc_gather(codebook, idx3):
    mesh = plsc.VectorSubcoreMesh(core_axis_name="c", subcore_axis_name="s")

    @functools.partial(
        pl.kernel,
        out_type=jax.ShapeDtypeStruct((_N, _C), jnp.float32),
        mesh=mesh,
        scratch_types=[
            pltpu.VMEM((_JCH, 128), jnp.int32),
            pltpu.VMEM((128, _C), jnp.float32),
            pltpu.SemaphoreType.DMA,
        ],
    )
    def gk(cb_hbm, idx_hbm, out_hbm, idx_v, rows_v, sem):
        wid = lax.axis_index("s") * 2 + lax.axis_index("c")
        base = wid * _BPW
        pltpu.sync_copy(idx_hbm.at[wid], idx_v)
        for j in range(_JCH):
            pltpu.async_copy(cb_hbm.at[idx_v.at[j]], rows_v, sem).wait()
            pltpu.sync_copy(rows_v, out_hbm.at[pl.ds(base + j * 128, 128)])

    return gk(codebook, idx3)


def kernel(x, codebook):
    B, T, C = x.shape
    x_flat = x.reshape(-1, C)
    x2 = jnp.sum(x_flat * x_flat, axis=1, keepdims=True)
    c2 = jnp.sum(codebook * codebook, axis=1)
    idx2, loss = _vq_tc(x_flat, codebook, x2, c2.reshape(1, _K))
    idx_flat = idx2[:, 0]
    qe_flat = _sc_gather(codebook, idx_flat.reshape(_NW, _JCH, 128))
    qe = qe_flat.reshape(B, T, C)
    return (qe, loss[0, 0], idx_flat.reshape(B, T))

# --- scband reference (transcript-rebuilt; emitter-appended) ---
"""Pipeline reference for scband-vqmodule-20255065767997 (READ-ONLY COPY).

The authoritative reference and input builder live on the scoring server;
editing this copy changes nothing except your own understanding.
"""

import jax, jax.numpy as jnp
import numpy as np


def setup_inputs(seed: int = 0) -> dict:
    key = jax.random.key(seed)
    k1, k2 = jax.random.split(key)
    x = jax.random.normal(k1, (8, 1024, 256), dtype=jnp.float32)
    # Learned codebook of the inner VectorQuantize(c_hidden=256, k=8192)
    codebook = jax.random.normal(k2, (8192, 256), dtype=jnp.float32)
    return {"x": x, "codebook": codebook}


def reference(x, codebook):
    # Eval-mode path with q_step_counter (0) >= q_init (0):
    # qe, (_, commit_loss), indices = self.vquantizer(x, dim=-1)
    B, T, C = x.shape
    x_flat = x.reshape(-1, C)
    # Squared euclidean distances to every code: ||x||^2 - 2 x.c + ||c||^2
    x2 = jnp.sum(x_flat * x_flat, axis=1, keepdims=True)
    c2 = jnp.sum(codebook * codebook, axis=1)
    dist = x2 - 2.0 * (x_flat @ codebook.T) + c2[None, :]
    indices = jnp.argmin(dist, axis=1)
    qe_flat = jnp.take(codebook, indices, axis=0)
    qe = qe_flat.reshape(B, T, C)
    # commitment loss (ema_loss=True -> codebook updated by EMA, only commit term)
    commit_loss = jnp.mean((x - jax.lax.stop_gradient(qe)) ** 2)
    # straight-through estimator
    qe_st = x + jax.lax.stop_gradient(qe - x)
    return (qe_st, commit_loss, indices.reshape(B, T))

if __name__ == "__main__":
    import jax
    _d = setup_inputs()
    print(jax.jit(kernel)(*tuple(_d.values())))

</pallas_src>

<mosaic_0001>
#map = affine_map<(d0, d1) -> (0, 0)>
#map1 = affine_map<(d0, d1) -> (0, 0, 0)>
module attributes {stable_mosaic.version = 14 : i64} {
  func.func @gk(%arg0: i32, %arg1: i32, %arg2: memref<8192x256xf32, #tpu.memory_space<hbm>>, %arg3: memref<32x2x128xi32, #tpu.memory_space<hbm>>, %arg4: memref<8192x256xf32, #tpu.memory_space<hbm>>, %arg5: memref<2x128xi32, #tpu.memory_space<vmem>>, %arg6: memref<128x256xf32, #tpu.memory_space<vmem>>, %arg7: memref<!tpu.dma_semaphore, #tpu.memory_space<semaphore_mem>>) attributes {dimension_semantics = [#tpu.dimension_semantics<core_parallel>, #tpu.dimension_semantics<subcore_parallel>], iteration_bounds = array<i64: 2, 16>, scalar_prefetch = 0 : i64, scratch_operands = 3 : i64, tpu.core_type = #tpu.core_type<sc_vector_subcore>, window_params = [{transform_indices = #map}, {transform_indices = #map1}, {transform_indices = #map}]} {
    %mul3A = arith.constant 2 : i32
    %mul3A_0 = arith.muli %arg1, %mul3A : i32
    %add3A = arith.addi %mul3A_0, %arg0 : i32
    %mul3A_1 = arith.constant 256 : i32
    %mul3A_2 = arith.muli %add3A, %mul3A_1 : i32
    "tpu.region"() ({
      %run_scoped3A = tpu.sem_alloc : memref<!tpu.dma_semaphore, #tpu.memory_space<semaphore_mem>>
      %dma_start3A_33 = arith.constant 0 : i32
      %dma_start3A_34 = arith.constant 0 : i32
      %dma_start3A_35 = tpu.memref_slice %arg3[%add3A, %dma_start3A_33, %dma_start3A_34] : memref<32x2x128xi32, #tpu.memory_space<hbm>> -> memref<1x2x128xi32, #tpu.memory_space<hbm>>
      %dma_start3A_36 = tpu.memref_squeeze %dma_start3A_35 : memref<1x2x128xi32, #tpu.memory_space<hbm>> -> memref<2x128xi32, #tpu.memory_space<hbm>>
      %dma_start3A_37 = arith.constant 0 : i32
      %dma_start3A_38 = arith.constant 0 : i32
      %dma_start3A_39 = tpu.memref_slice %arg3[%add3A, %dma_start3A_37, %dma_start3A_38] : memref<32x2x128xi32, #tpu.memory_space<hbm>> -> memref<1x2x128xi32, #tpu.memory_space<hbm>>
      %dma_start3A_40 = tpu.memref_squeeze %dma_start3A_39 : memref<1x2x128xi32, #tpu.memory_space<hbm>> -> memref<2x128xi32, #tpu.memory_space<hbm>>
      tpu.enqueue_dma source(%dma_start3A_40 : memref<2x128xi32, #tpu.memory_space<hbm>>) target(%arg5 : memref<2x128xi32, #tpu.memory_space<vmem>>) target_semaphore(%run_scoped3A : memref<!tpu.dma_semaphore, #tpu.memory_space<semaphore_mem>>)
      %dma_wait3A_41 = arith.constant 0 : i32
      %dma_wait3A_42 = arith.constant 0 : i32
      %dma_wait3A_43 = tpu.memref_slice %arg3[%add3A, %dma_wait3A_41, %dma_wait3A_42] : memref<32x2x128xi32, #tpu.memory_space<hbm>> -> memref<1x2x128xi32, #tpu.memory_space<hbm>>
      %dma_wait3A_44 = tpu.memref_squeeze %dma_wait3A_43 : memref<1x2x128xi32, #tpu.memory_space<hbm>> -> memref<2x128xi32, #tpu.memory_space<hbm>>
      %dma_wait3A_45 = arith.constant 0 : i32
      %dma_wait3A_46 = arith.constant 0 : i32
      %dma_wait3A_47 = tpu.memref_slice %arg3[%add3A, %dma_wait3A_45, %dma_wait3A_46] : memref<32x2x128xi32, #tpu.memory_space<hbm>> -> memref<1x2x128xi32, #tpu.memory_space<hbm>>
      %dma_wait3A_48 = tpu.memref_squeeze %dma_wait3A_47 : memref<1x2x128xi32, #tpu.memory_space<hbm>> -> memref<2x128xi32, #tpu.memory_space<hbm>>
      tpu.wait_dma2 semaphore(%run_scoped3A : memref<!tpu.dma_semaphore, #tpu.memory_space<semaphore_mem>>) src(%dma_wait3A_48 : memref<2x128xi32, #tpu.memory_space<hbm>>) dst(%arg5 : memref<2x128xi32, #tpu.memory_space<vmem>>)
      tpu.yield
    }) : () -> ()
    %dma_start3A = arith.constant 0 : i32
    %dma_start3A_3 = arith.constant 0 : i32
    %dma_start3A_4 = tpu.memref_slice %arg5[%dma_start3A, %dma_start3A_3] : memref<2x128xi32, #tpu.memory_space<vmem>> -> memref<1x128xi32, #tpu.memory_space<vmem>>
    %dma_start3A_5 = tpu.memref_squeeze %dma_start3A_4 : memref<1x128xi32, #tpu.memory_space<vmem>> -> memref<128xi32, #tpu.memory_space<vmem>>
    %dma_start3A_6 = arith.constant 0 : i32
    %dma_start3A_7 = arith.constant 0 : i32
    %dma_start3A_8 = tpu.memref_slice %arg2[%dma_start3A_6, %dma_start3A_7] : memref<8192x256xf32, #tpu.memory_space<hbm>> -> memref<8192x256xf32, #tpu.memory_space<hbm>>
    tpu.enqueue_indirect_dma source(%dma_start3A_8 : memref<8192x256xf32, #tpu.memory_space<hbm>>) target(%arg6 : memref<128x256xf32, #tpu.memory_space<vmem>>) offsets(%dma_start3A_5 : memref<128xi32, #tpu.memory_space<vmem>>) semaphore(%arg7 : memref<!tpu.dma_semaphore, #tpu.memory_space<semaphore_mem>>)
    %dma_wait3A = arith.constant 0 : i32
    %dma_wait3A_9 = arith.constant 0 : i32
    %dma_wait3A_10 = tpu.memref_slice %arg5[%dma_wait3A, %dma_wait3A_9] : memref<2x128xi32, #tpu.memory_space<vmem>> -> memref<1x128xi32, #tpu.memory_space<vmem>>
    %dma_wait3A_11 = tpu.memref_squeeze %dma_wait3A_10 : memref<1x128xi32, #tpu.memory_space<vmem>> -> memref<128xi32, #tpu.memory_space<vmem>>
    %dma_wait3A_12 = arith.constant 0 : i32
    %dma_wait3A_13 = arith.constant 0 : i32
    %dma_wait3A_14 = tpu.memref_slice %arg2[%dma_wait3A_12, %dma_wait3A_13] : memref<8192x256xf32, #tpu.memory_space<hbm>> -> memref<8192x256xf32, #tpu.memory_space<hbm>>
    tpu.wait_indirect_dma semaphore(%arg7 : memref<!tpu.dma_semaphore, #tpu.memory_space<semaphore_mem>>) src(%dma_wait3A_14 : memref<8192x256xf32, #tpu.memory_space<hbm>>) dst(%arg6 : memref<128x256xf32, #tpu.memory_space<vmem>>)
    %add3A_15 = arith.constant 0 : i32
    %add3A_16 = arith.addi %mul3A_2, %add3A_15 : i32
    "tpu.region"() ({
      %run_scoped3A = tpu.sem_alloc : memref<!tpu.dma_semaphore, #tpu.memory_space<semaphore_mem>>
      %dma_start3A_33 = arith.constant 0 : i32
      %dma_start3A_34 = tpu.memref_slice %arg4[%add3A_16, %dma_start3A_33] : memref<8192x256xf32, #tpu.memory_space<hbm>> -> memref<128x256xf32, #tpu.memory_space<hbm>>
      %dma_start3A_35 = arith.constant 0 : i32
      %dma_start3A_36 = tpu.memref_slice %arg4[%add3A_16, %dma_start3A_35] : memref<8192x256xf32, #tpu.memory_space<hbm>> -> memref<128x256xf32, #tpu.memory_space<hbm>>
      tpu.enqueue_dma source(%arg6 : memref<128x256xf32, #tpu.memory_space<vmem>>) target(%dma_start3A_36 : memref<128x256xf32, #tpu.memory_space<hbm>>) target_semaphore(%run_scoped3A : memref<!tpu.dma_semaphore, #tpu.memory_space<semaphore_mem>>)
      %dma_wait3A_37 = arith.constant 0 : i32
      %dma_wait3A_38 = tpu.memref_slice %arg4[%add3A_16, %dma_wait3A_37] : memref<8192x256xf32, #tpu.memory_space<hbm>> -> memref<128x256xf32, #tpu.memory_space<hbm>>
      %dma_wait3A_39 = arith.constant 0 : i32
      %dma_wait3A_40 = tpu.memref_slice %arg4[%add3A_16, %dma_wait3A_39] : memref<8192x256xf32, #tpu.memory_space<hbm>> -> memref<128x256xf32, #tpu.memory_space<hbm>>
      tpu.wait_dma2 semaphore(%run_scoped3A : memref<!tpu.dma_semaphore, #tpu.memory_space<semaphore_mem>>) src(%arg6 : memref<128x256xf32, #tpu.memory_space<vmem>>) dst(%dma_wait3A_40 : memref<128x256xf32, #tpu.memory_space<hbm>>)
      tpu.yield
    }) : () -> ()
    %dma_start3A_17 = arith.constant 1 : i32
    %dma_start3A_18 = arith.constant 0 : i32
    %dma_start3A_19 = tpu.memref_slice %arg5[%dma_start3A_17, %dma_start3A_18] : memref<2x128xi32, #tpu.memory_space<vmem>> -> memref<1x128xi32, #tpu.memory_space<vmem>>
    %dma_start3A_20 = tpu.memref_squeeze %dma_start3A_19 : memref<1x128xi32, #tpu.memory_space<vmem>> -> memref<128xi32, #tpu.memory_space<vmem>>
    %dma_start3A_21 = arith.constant 0 : i32
    %dma_start3A_22 = arith.constant 0 : i32
    %dma_start3A_23 = tpu.memref_slice %arg2[%dma_start3A_21, %dma_start3A_22] : memref<8192x256xf32, #tpu.memory_space<hbm>> -> memref<8192x256xf32, #tpu.memory_space<hbm>>
    tpu.enqueue_indirect_dma source(%dma_start3A_23 : memref<8192x256xf32, #tpu.memory_space<hbm>>) target(%arg6 : memref<128x256xf32, #tpu.memory_space<vmem>>) offsets(%dma_start3A_20 : memref<128xi32, #tpu.memory_space<vmem>>) semaphore(%arg7 : memref<!tpu.dma_semaphore, #tpu.memory_space<semaphore_mem>>)
    %dma_wait3A_24 = arith.constant 1 : i32
    %dma_wait3A_25 = arith.constant 0 : i32
    %dma_wait3A_26 = tpu.memref_slice %arg5[%dma_wait3A_24, %dma_wait3A_25] : memref<2x128xi32, #tpu.memory_space<vmem>> -> memref<1x128xi32, #tpu.memory_space<vmem>>
    %dma_wait3A_27 = tpu.memref_squeeze %dma_wait3A_26 : memref<1x128xi32, #tpu.memory_space<vmem>> -> memref<128xi32, #tpu.memory_space<vmem>>
    %dma_wait3A_28 = arith.constant 0 : i32
    %dma_wait3A_29 = arith.constant 0 : i32
    %dma_wait3A_30 = tpu.memref_slice %arg2[%dma_wait3A_28, %dma_wait3A_29] : memref<8192x256xf32, #tpu.memory_space<hbm>> -> memref<8192x256xf32, #tpu.memory_space<hbm>>
    tpu.wait_indirect_dma semaphore(%arg7 : memref<!tpu.dma_semaphore, #tpu.memory_space<semaphore_mem>>) src(%dma_wait3A_30 : memref<8192x256xf32, #tpu.memory_space<hbm>>) dst(%arg6 : memref<128x256xf32, #tpu.memory_space<vmem>>)
    %add3A_31 = arith.constant 128 : i32
    %add3A_32 = arith.addi %mul3A_2, %add3A_31 : i32
    "tpu.region"() ({
      %run_scoped3A = tpu.sem_alloc : memref<!tpu.dma_semaphore, #tpu.memory_space<semaphore_mem>>
      %dma_start3A_33 = arith.constant 0 : i32
      %dma_start3A_34 = tpu.memref_slice %arg4[%add3A_32, %dma_start3A_33] : memref<8192x256xf32, #tpu.memory_space<hbm>> -> memref<128x256xf32, #tpu.memory_space<hbm>>
      %dma_start3A_35 = arith.constant 0 : i32
      %dma_start3A_36 = tpu.memref_slice %arg4[%add3A_32, %dma_start3A_35] : memref<8192x256xf32, #tpu.memory_space<hbm>> -> memref<128x256xf32, #tpu.memory_space<hbm>>
      tpu.enqueue_dma source(%arg6 : memref<128x256xf32, #tpu.memory_space<vmem>>) target(%dma_start3A_36 : memref<128x256xf32, #tpu.memory_space<hbm>>) target_semaphore(%run_scoped3A : memref<!tpu.dma_semaphore, #tpu.memory_space<semaphore_mem>>)
      %dma_wait3A_37 = arith.constant 0 : i32
      %dma_wait3A_38 = tpu.memref_slice %arg4[%add3A_32, %dma_wait3A_37] : memref<8192x256xf32, #tpu.memory_space<hbm>> -> memref<128x256xf32, #tpu.memory_space<hbm>>
      %dma_wait3A_39 = arith.constant 0 : i32
      %dma_wait3A_40 = tpu.memref_slice %arg4[%add3A_32, %dma_wait3A_39] : memref<8192x256xf32, #tpu.memory_space<hbm>> -> memref<128x256xf32, #tpu.memory_space<hbm>>
      tpu.wait_dma2 semaphore(%run_scoped3A : memref<!tpu.dma_semaphore, #tpu.memory_space<semaphore_mem>>) src(%arg6 : memref<128x256xf32, #tpu.memory_space<vmem>>) dst(%dma_wait3A_40 : memref<128x256xf32, #tpu.memory_space<hbm>>)
      tpu.yield
    }) : () -> ()
    return
  }
}

module attributes {stable_mosaic.version = 14 : i64} {
  func.func @_vq_body(%arg0: i32, %arg1: i32, %arg2: memref<8192x256xf32, #tpu.memory_space<vmem>>, %arg3: memref<2048x256xf32, #tpu.memory_space<vmem>>, %arg4: memref<8192x1xf32, #tpu.memory_space<vmem>>, %arg5: memref<1x2048xf32, #tpu.memory_space<vmem>>, %arg6: memref<256x1xi32, #tpu.memory_space<vmem>>, %arg7: memref<1x1xf32, #tpu.memory_space<vmem>>, %arg8: memref<256x2048xf32, #tpu.memory_space<vmem>>, %arg9: memref<8192x1xf32, #tpu.memory_space<vmem>>, %arg10: memref<8192x1xi32, #tpu.memory_space<vmem>>, %arg11: memref<1x1xf32, #tpu.memory_space<vmem>>) attributes {dimension_semantics = [#tpu.dimension_semantics<arbitrary>, #tpu.dimension_semantics<arbitrary>], iteration_bounds = array<i64: 4, 32>, scalar_prefetch = 0 : i64, scratch_operands = 4 : i64, tpu.core_type = #tpu.core_type<tc>, window_params = [{pipeline_mode = #tpu.pipeline_mode<synchronous>, transform_indices = @transform_0, window_bounds = array<i64: 8192, 256>}, {transform_indices = @transform_1, window_bounds = array<i64: 2048, 256>}, {pipeline_mode = #tpu.pipeline_mode<synchronous>, transform_indices = @transform_2, window_bounds = array<i64: 8192, 1>}, {transform_indices = @transform_3, window_bounds = array<i64: 1, 2048>}, {transform_indices = @transform_4, window_bounds = array<i64: 256, 1>}, {pipeline_mode = #tpu.pipeline_mode<synchronous>, transform_indices = @transform_5, window_bounds = array<i64: 1, 1>}]} {
    %mul3A = arith.constant 256 : i32
    %mul3A_0 = arith.muli %arg1, %mul3A : i32
    %get3A = arith.index_cast %mul3A_0 : i32 to index
    %get3A_1 = arith.constant 0 : index
    %get3A_2 = vector.load %arg2[%get3A, %get3A_1] : memref<8192x256xf32, #tpu.memory_space<vmem>>, vector<256x256xf32>
    %get3A_3 = arith.index_cast %mul3A_0 : i32 to index
    %get3A_4 = arith.constant 0 : index
    %get3A_5 = vector.load %arg4[%get3A_3, %get3A_4] : memref<8192x1xf32, #tpu.memory_space<vmem>>, vector<256x1xf32>
    %eq3A = arith.constant 0 : i32
    %eq3A_6 = arith.cmpi eq, %arg1, %eq3A : i32
    %eq3A_7 = arith.constant 0 : i32
    %eq3A_8 = arith.cmpi eq, %arg0, %eq3A_7 : i32
    %and3A = arith.andi %eq3A_6, %eq3A_8 : i1
    %convert_element_type3A = arith.extui %and3A : i1 to i32
    %cond3A = arith.constant 0 : i32
    %cond3A_9 = arith.cmpi ne, %convert_element_type3A, %cond3A : i32
    scf.if %cond3A_9 {
      %iota3A = tpu.iota {dimensions = array<i32: 1>} : vector<256x2048xi32>
      %convert_element_type3A_162 = arith.sitofp %iota3A : vector<256x2048xi32> to vector<256x2048xf32>
      %swap3A = arith.constant 0 : index
      %swap3A_163 = arith.constant 0 : index
      %swap3A_164 = vector.load %arg8[%swap3A, %swap3A_163] : memref<256x2048xf32, #tpu.memory_space<vmem>>, vector<256x2048xf32>
      tpu.vector_store %arg8[%swap3A, %swap3A_163], %convert_element_type3A_162 {strides = array<i32>} : memref<256x2048xf32, #tpu.memory_space<vmem>>, vector<256x2048xf32>,
    } else {
    }
    %get3A_10 = arith.constant 0 : index
    %get3A_11 = arith.constant 0 : index
    %get3A_12 = vector.load %arg3[%get3A_10, %get3A_11] : memref<2048x256xf32, #tpu.memory_space<vmem>>, vector<512x256xf32>
    %dot_general3A = arith.constant dense<0.000000e+00> : vector<256x512xf32>
    %dot_general3A_13 = tpu.matmul %get3A_2, %get3A_12, %dot_general3A {dimension_numbers = #tpu.dot_dimension_numbers<[1], [1], [0], [0], [0, 0, 1, 0], [], []>, transpose_lhs_hint = false} : vector<256x256xf32>, vector<512x256xf32>, vector<256x512xf32> -> vector<256x512xf32>
    %get3A_14 = arith.constant 0 : index
    %get3A_15 = arith.constant 0 : index
    %get3A_16 = vector.load %arg5[%get3A_14, %get3A_15] : memref<1x2048xf32, #tpu.memory_space<vmem>>, vector<1x512xf32>
    %mul3A_17 = arith.constant 2.000000e+00 : f32
    %mul3A_18 = vector.broadcast %mul3A_17 : f32 to vector<256x512xf32>
    %mul3A_19 = arith.mulf %mul3A_18, %dot_general3A_13 : vector<256x512xf32>
    %sub3A = vector.broadcast %get3A_5 : vector<256x1xf32> to vector<256x512xf32>
    %sub3A_20 = arith.subf %sub3A, %mul3A_19 : vector<256x512xf32>
    %add3A = vector.broadcast %get3A_16 : vector<1x512xf32> to vector<256x512xf32>
    %add3A_21 = arith.addf %sub3A_20, %add3A : vector<256x512xf32>
    %reduce_min3A = arith.constant dense<0x7F800000> : vector<256xf32>
    %reduce_min3A_22 = vector.multi_reduction <minimumf>, %add3A_21, %reduce_min3A [1] : vector<256x512xf32> to vector<256xf32>
    %broadcast_in_dim3A = vector.shape_cast %reduce_min3A_22 : vector<256xf32> to vector<256x1xf32>
    %eq3A_23 = vector.broadcast %broadcast_in_dim3A : vector<256x1xf32> to vector<256x512xf32>
    %eq3A_24 = arith.cmpf oeq, %add3A_21, %eq3A_23 : vector<256x512xf32>
    %get3A_25 = arith.constant 0 : index
    %get3A_26 = arith.constant 0 : index
    %get3A_27 = vector.load %arg8[%get3A_25, %get3A_26] : memref<256x2048xf32, #tpu.memory_space<vmem>>, vector<256x512xf32>
    %jit3A = arith.constant 8.192000e+03 : f32
    %broadcast_in_dim3A_28 = vector.broadcast %jit3A : f32 to vector<256x512xf32>
    %select_n3A = arith.select %eq3A_24, %get3A_27, %broadcast_in_dim3A_28 : vector<256x512xi1>, vector<256x512xf32>
    %reduce_min3A_29 = arith.constant dense<0x7F800000> : vector<256xf32>
    %reduce_min3A_30 = vector.multi_reduction <minimumf>, %select_n3A, %reduce_min3A_29 [1] : vector<256x512xf32> to vector<256xf32>
    %broadcast_in_dim3A_31 = vector.shape_cast %reduce_min3A_30 : vector<256xf32> to vector<256x1xf32>
    %get3A_32 = arith.constant 512 : index
    %get3A_33 = arith.constant 0 : index
    %get3A_34 = vector.load %arg3[%get3A_32, %get3A_33] : memref<2048x256xf32, #tpu.memory_space<vmem>>, vector<512x256xf32>
    %dot_general3A_35 = arith.constant dense<0.000000e+00> : vector<256x512xf32>
    %dot_general3A_36 = tpu.matmul %get3A_2, %get3A_34, %dot_general3A_35 {dimension_numbers = #tpu.dot_dimension_numbers<[1], [1], [0], [0], [0, 0, 1, 0], [], []>, transpose_lhs_hint = false} : vector<256x256xf32>, vector<512x256xf32>, vector<256x512xf32> -> vector<256x512xf32>
    %get3A_37 = arith.constant 0 : index
    %get3A_38 = arith.constant 512 : index
    %get3A_39 = vector.load %arg5[%get3A_37, %get3A_38] : memref<1x2048xf32, #tpu.memory_space<vmem>>, vector<1x512xf32>
    %mul3A_40 = arith.constant 2.000000e+00 : f32
    %mul3A_41 = vector.broadcast %mul3A_40 : f32 to vector<256x512xf32>
    %mul3A_42 = arith.mulf %mul3A_41, %dot_general3A_36 : vector<256x512xf32>
    %sub3A_43 = vector.broadcast %get3A_5 : vector<256x1xf32> to vector<256x512xf32>
    %sub3A_44 = arith.subf %sub3A_43, %mul3A_42 : vector<256x512xf32>
    %add3A_45 = vector.broadcast %get3A_39 : vector<1x512xf32> to vector<256x512xf32>
    %add3A_46 = arith.addf %sub3A_44, %add3A_45 : vector<256x512xf32>
    %reduce_min3A_47 = arith.constant dense<0x7F800000> : vector<256xf32>
    %reduce_min3A_48 = vector.multi_reduction <minimumf>, %add3A_46, %reduce_min3A_47 [1] : vector<256x512xf32> to vector<256xf32>
    %broadcast_in_dim3A_49 = vector.shape_cast %reduce_min3A_48 : vector<256xf32> to vector<256x1xf32>
    %eq3A_50 = vector.broadcast %broadcast_in_dim3A_49 : vector<256x1xf32> to vector<256x512xf32>
    %eq3A_51 = arith.cmpf oeq, %add3A_46, %eq3A_50 : vector<256x512xf32>
    %get3A_52 = arith.constant 0 : index
    %get3A_53 = arith.constant 512 : index
    %get3A_54 = vector.load %arg8[%get3A_52, %get3A_53] : memref<256x2048xf32, #tpu.memory_space<vmem>>, vector<256x512xf32>
    %jit3A_55 = arith.constant 8.192000e+03 : f32
    %broadcast_in_dim3A_56 = vector.broadcast %jit3A_55 : f32 to vector<256x512xf32>
    %select_n3A_57 = arith.select %eq3A_51, %get3A_54, %broadcast_in_dim3A_56 : vector<256x512xi1>, vector<256x512xf32>
    %reduce_min3A_58 = arith.constant dense<0x7F800000> : vector<256xf32>
    %reduce_min3A_59 = vector.multi_reduction <minimumf>, %select_n3A_57, %reduce_min3A_58 [1] : vector<256x512xf32> to vector<256xf32>
    %broadcast_in_dim3A_60 = vector.shape_cast %reduce_min3A_59 : vector<256xf32> to vector<256x1xf32>
    %lt3A = arith.cmpf olt, %broadcast_in_dim3A_49, %broadcast_in_dim3A : vector<256x1xf32>
    %select_n3A_61 = arith.select %lt3A, %broadcast_in_dim3A_60, %broadcast_in_dim3A_31 : vector<256x1xi1>, vector<256x1xf32>
    %select_n3A_62 = arith.select %lt3A, %broadcast_in_dim3A_49, %broadcast_in_dim3A : vector<256x1xi1>, vector<256x1xf32>
    %get3A_63 = arith.constant 1024 : index
    %get3A_64 = arith.constant 0 : index
    %get3A_65 = vector.load %arg3[%get3A_63, %get3A_64] : memref<2048x256xf32, #tpu.memory_space<vmem>>, vector<512x256xf32>
    %dot_general3A_66 = arith.constant dense<0.000000e+00> : vector<256x512xf32>
    %dot_general3A_67 = tpu.matmul %get3A_2, %get3A_65, %dot_general3A_66 {dimension_numbers = #tpu.dot_dimension_numbers<[1], [1], [0], [0], [0, 0, 1, 0], [], []>, transpose_lhs_hint = false} : vector<256x256xf32>, vector<512x256xf32>, vector<256x512xf32> -> vector<256x512xf32>
    %get3A_68 = arith.constant 0 : index
    %get3A_69 = arith.constant 1024 : index
    %get3A_70 = vector.load %arg5[%get3A_68, %get3A_69] : memref<1x2048xf32, #tpu.memory_space<vmem>>, vector<1x512xf32>
    %mul3A_71 = arith.constant 2.000000e+00 : f32
    %mul3A_72 = vector.broadcast %mul3A_71 : f32 to vector<256x512xf32>
    %mul3A_73 = arith.mulf %mul3A_72, %dot_general3A_67 : vector<256x512xf32>
    %sub3A_74 = vector.broadcast %get3A_5 : vector<256x1xf32> to vector<256x512xf32>
    %sub3A_75 = arith.subf %sub3A_74, %mul3A_73 : vector<256x512xf32>
    %add3A_76 = vector.broadcast %get3A_70 : vector<1x512xf32> to vector<256x512xf32>
    %add3A_77 = arith.addf %sub3A_75, %add3A_76 : vector<256x512xf32>
    %reduce_min3A_78 = arith.constant dense<0x7F800000> : vector<256xf32>
    %reduce_min3A_79 = vector.multi_reduction <minimumf>, %add3A_77, %reduce_min3A_78 [1] : vector<256x512xf32> to vector<256xf32>
    %broadcast_in_dim3A_80 = vector.shape_cast %reduce_min3A_79 : vector<256xf32> to vector<256x1xf32>
    %eq3A_81 = vector.broadcast %broadcast_in_dim3A_80 : vector<256x1xf32> to vector<256x512xf32>
    %eq3A_82 = arith.cmpf oeq, %add3A_77, %eq3A_81 : vector<256x512xf32>
    %get3A_83 = arith.constant 0 : index
    %get3A_84 = arith.constant 1024 : index
    %get3A_85 = vector.load %arg8[%get3A_83, %get3A_84] : memref<256x2048xf32, #tpu.memory_space<vmem>>, vector<256x512xf32>
    %jit3A_86 = arith.constant 8.192000e+03 : f32
    %broadcast_in_dim3A_87 = vector.broadcast %jit3A_86 : f32 to vector<256x512xf32>
    %select_n3A_88 = arith.select %eq3A_82, %get3A_85, %broadcast_in_dim3A_87 : vector<256x512xi1>, vector<256x512xf32>
    %reduce_min3A_89 = arith.constant dense<0x7F800000> : vector<256xf32>
    %reduce_min3A_90 = vector.multi_reduction <minimumf>, %select_n3A_88, %reduce_min3A_89 [1] : vector<256x512xf32> to vector<256xf32>
    %broadcast_in_dim3A_91 = vector.shape_cast %reduce_min3A_90 : vector<256xf32> to vector<256x1xf32>
    %lt3A_92 = arith.cmpf olt, %broadcast_in_dim3A_80, %select_n3A_62 : vector<256x1xf32>
    %select_n3A_93 = arith.select %lt3A_92, %broadcast_in_dim3A_91, %select_n3A_61 : vector<256x1xi1>, vector<256x1xf32>
    %select_n3A_94 = arith.select %lt3A_92, %broadcast_in_dim3A_80, %select_n3A_62 : vector<256x1xi1>, vector<256x1xf32>
    %get3A_95 = arith.constant 1536 : index
    %get3A_96 = arith.constant 0 : index
    %get3A_97 = vector.load %arg3[%get3A_95, %get3A_96] : memref<2048x256xf32, #tpu.memory_space<vmem>>, vector<512x256xf32>
    %dot_general3A_98 = arith.constant dense<0.000000e+00> : vector<256x512xf32>
    %dot_general3A_99 = tpu.matmul %get3A_2, %get3A_97, %dot_general3A_98 {dimension_numbers = #tpu.dot_dimension_numbers<[1], [1], [0], [0], [0, 0, 1, 0], [], []>, transpose_lhs_hint = false} : vector<256x256xf32>, vector<512x256xf32>, vector<256x512xf32> -> vector<256x512xf32>
    %get3A_100 = arith.constant 0 : index
    %get3A_101 = arith.constant 1536 : index
    %get3A_102 = vector.load %arg5[%get3A_100, %get3A_101] : memref<1x2048xf32, #tpu.memory_space<vmem>>, vector<1x512xf32>
    %mul3A_103 = arith.constant 2.000000e+00 : f32
    %mul3A_104 = vector.broadcast %mul3A_103 : f32 to vector<256x512xf32>
    %mul3A_105 = arith.mulf %mul3A_104, %dot_general3A_99 : vector<256x512xf32>
    %sub3A_106 = vector.broadcast %get3A_5 : vector<256x1xf32> to vector<256x512xf32>
    %sub3A_107 = arith.subf %sub3A_106, %mul3A_105 : vector<256x512xf32>
    %add3A_108 = vector.broadcast %get3A_102 : vector<1x512xf32> to vector<256x512xf32>
    %add3A_109 = arith.addf %sub3A_107, %add3A_108 : vector<256x512xf32>
    %reduce_min3A_110 = arith.constant dense<0x7F800000> : vector<256xf32>
    %reduce_min3A_111 = vector.multi_reduction <minimumf>, %add3A_109, %reduce_min3A_110 [1] : vector<256x512xf32> to vector<256xf32>
    %broadcast_in_dim3A_112 = vector.shape_cast %reduce_min3A_111 : vector<256xf32> to vector<256x1xf32>
    %eq3A_113 = vector.broadcast %broadcast_in_dim3A_112 : vector<256x1xf32> to vector<256x512xf32>
    %eq3A_114 = arith.cmpf oeq, %add3A_109, %eq3A_113 : vector<256x512xf32>
    %get3A_115 = arith.constant 0 : index
    %get3A_116 = arith.constant 1536 : index
    %get3A_117 = vector.load %arg8[%get3A_115, %get3A_116] : memref<256x2048xf32, #tpu.memory_space<vmem>>, vector<256x512xf32>
    %jit3A_118 = arith.constant 8.192000e+03 : f32
    %broadcast_in_dim3A_119 = vector.broadcast %jit3A_118 : f32 to vector<256x512xf32>
    %select_n3A_120 = arith.select %eq3A_114, %get3A_117, %broadcast_in_dim3A_119 : vector<256x512xi1>, vector<256x512xf32>
    %reduce_min3A_121 = arith.constant dense<0x7F800000> : vector<256xf32>
    %reduce_min3A_122 = vector.multi_reduction <minimumf>, %select_n3A_120, %reduce_min3A_121 [1] : vector<256x512xf32> to vector<256xf32>
    %broadcast_in_dim3A_123 = vector.shape_cast %reduce_min3A_122 : vector<256xf32> to vector<256x1xf32>
    %lt3A_124 = arith.cmpf olt, %broadcast_in_dim3A_112, %select_n3A_94 : vector<256x1xf32>
    %select_n3A_125 = arith.select %lt3A_124, %broadcast_in_dim3A_123, %select_n3A_93 : vector<256x1xi1>, vector<256x1xf32>
    %select_n3A_126 = arith.select %lt3A_124, %broadcast_in_dim3A_112, %select_n3A_94 : vector<256x1xi1>, vector<256x1xf32>
    %convert_element_type3A_127 = arith.fptosi %select_n3A_125 : vector<256x1xf32> to vector<256x1xi32>
    %mul3A_128 = arith.constant 2048 : i32
    %mul3A_129 = arith.muli %arg0, %mul3A_128 : i32
    %add3A_130 = vector.broadcast %mul3A_129 : i32 to vector<256x1xi32>
    %add3A_131 = arith.addi %convert_element_type3A_127, %add3A_130 : vector<256x1xi32>
    %eq3A_132 = arith.constant 0 : i32
    %eq3A_133 = arith.cmpi eq, %arg0, %eq3A_132 : i32
    %convert_element_type3A_134 = arith.extui %eq3A_133 : i1 to i32
    %cond3A_135 = arith.constant 0 : i32
    %cond3A_136 = arith.cmpi ne, %convert_element_type3A_134, %cond3A_135 : i32
    scf.if %cond3A_136 {
      %swap3A = arith.index_cast %mul3A_0 : i32 to index
      %swap3A_162 = arith.constant 0 : index
      %swap3A_163 = vector.load %arg9[%swap3A, %swap3A_162] : memref<8192x1xf32, #tpu.memory_space<vmem>>, vector<256x1xf32>
      tpu.vector_store %arg9[%swap3A, %swap3A_162], %select_n3A_126 {strides = array<i32>} : memref<8192x1xf32, #tpu.memory_space<vmem>>, vector<256x1xf32>,
      %swap3A_164 = arith.index_cast %mul3A_0 : i32 to index
      %swap3A_165 = arith.constant 0 : index
      %swap3A_166 = vector.load %arg10[%swap3A_164, %swap3A_165] : memref<8192x1xi32, #tpu.memory_space<vmem>>, vector<256x1xi32>
      tpu.vector_store %arg10[%swap3A_164, %swap3A_165], %add3A_131 {strides = array<i32>} : memref<8192x1xi32, #tpu.memory_space<vmem>>, vector<256x1xi32>,
    } else {
    }
    %gt3A = arith.constant 0 : i32
    %gt3A_137 = arith.cmpi sgt, %arg0, %gt3A : i32
    %convert_element_type3A_138 = arith.extui %gt3A_137 : i1 to i32
    %cond3A_139 = arith.constant 0 : i32
    %cond3A_140 = arith.cmpi ne, %convert_element_type3A_138, %cond3A_139 : i32
    scf.if %cond3A_140 {
      %get3A_162 = arith.index_cast %mul3A_0 : i32 to index
      %get3A_163 = arith.constant 0 : index
      %get3A_164 = vector.load %arg9[%get3A_162, %get3A_163] : memref<8192x1xf32, #tpu.memory_space<vmem>>, vector<256x1xf32>
      %convert_element_type3A_165 = arith.truncf %get3A_164 : vector<256x1xf32> to vector<256x1xbf16>
      %convert_element_type3A_166 = arith.extf %convert_element_type3A_165 : vector<256x1xbf16> to vector<256x1xf32>
      %lt3A_167 = arith.cmpf olt, %select_n3A_126, %convert_element_type3A_166 : vector<256x1xf32>
      %select_n3A_168 = arith.select %lt3A_167, %select_n3A_126, %get3A_164 : vector<256x1xi1>, vector<256x1xf32>
      %swap3A = arith.index_cast %mul3A_0 : i32 to index
      %swap3A_169 = arith.constant 0 : index
      %swap3A_170 = vector.load %arg9[%swap3A, %swap3A_169] : memref<8192x1xf32, #tpu.memory_space<vmem>>, vector<256x1xf32>
      tpu.vector_store %arg9[%swap3A, %swap3A_169], %select_n3A_168 {strides = array<i32>} : memref<8192x1xf32, #tpu.memory_space<vmem>>, vector<256x1xf32>,
      %get3A_171 = arith.index_cast %mul3A_0 : i32 to index
      %get3A_172 = arith.constant 0 : index
      %get3A_173 = vector.load %arg10[%get3A_171, %get3A_172] : memref<8192x1xi32, #tpu.memory_space<vmem>>, vector<256x1xi32>
      %select_n3A_174 = arith.select %lt3A_167, %add3A_131, %get3A_173 : vector<256x1xi1>, vector<256x1xi32>
      %swap3A_175 = arith.index_cast %mul3A_0 : i32 to index
      %swap3A_176 = arith.constant 0 : index
      %swap3A_177 = vector.load %arg10[%swap3A_175, %swap3A_176] : memref<8192x1xi32, #tpu.memory_space<vmem>>, vector<256x1xi32>
      tpu.vector_store %arg10[%swap3A_175, %swap3A_176], %select_n3A_174 {strides = array<i32>} : memref<8192x1xi32, #tpu.memory_space<vmem>>, vector<256x1xi32>,
    } else {
    }
    %eq3A_141 = arith.constant 0 : i32
    %eq3A_142 = arith.cmpi eq, %arg1, %eq3A_141 : i32
    %eq3A_143 = arith.constant 0 : i32
    %eq3A_144 = arith.cmpi eq, %arg0, %eq3A_143 : i32
    %and3A_145 = arith.andi %eq3A_142, %eq3A_144 : i1
    %convert_element_type3A_146 = arith.extui %and3A_145 : i1 to i32
    %cond3A_147 = arith.constant 0 : i32
    %cond3A_148 = arith.cmpi ne, %convert_element_type3A_146, %cond3A_147 : i32
    scf.if %cond3A_148 {
      %broadcast_in_dim3A_162 = arith.constant 0.000000e+00 : f32
      %broadcast_in_dim3A_163 = vector.broadcast %broadcast_in_dim3A_162 : f32 to vector<1x1xf32>
      %swap3A = arith.constant 0 : index
      %swap3A_164 = arith.constant 0 : index
      %swap3A_165 = vector.load %arg11[%swap3A, %swap3A_164] : memref<1x1xf32, #tpu.memory_space<vmem>>, vector<1x1xf32>
      tpu.vector_store %arg11[%swap3A, %swap3A_164], %broadcast_in_dim3A_163 {strides = array<i32>} : memref<1x1xf32, #tpu.memory_space<vmem>>, vector<1x1xf32>,
    } else {
    }
    %eq3A_149 = arith.constant 3 : i32
    %eq3A_150 = arith.cmpi eq, %arg0, %eq3A_149 : i32
    %convert_element_type3A_151 = arith.extui %eq3A_150 : i1 to i32
    %cond3A_152 = arith.constant 0 : i32
    %cond3A_153 = arith.cmpi ne, %convert_element_type3A_151, %cond3A_152 : i32
    scf.if %cond3A_153 {
      %get3A_162 = arith.index_cast %mul3A_0 : i32 to index
      %get3A_163 = arith.constant 0 : index
      %get3A_164 = vector.load %arg10[%get3A_162, %get3A_163] : memref<8192x1xi32, #tpu.memory_space<vmem>>, vector<256x1xi32>
      %swap3A = arith.constant 0 : index
      %swap3A_165 = arith.constant 0 : index
      %swap3A_166 = vector.load %arg6[%swap3A, %swap3A_165] : memref<256x1xi32, #tpu.memory_space<vmem>>, vector<256x1xi32>
      tpu.vector_store %arg6[%swap3A, %swap3A_165], %get3A_164 {strides = array<i32>} : memref<256x1xi32, #tpu.memory_space<vmem>>, vector<256x1xi32>,
      %get3A_167 = arith.constant 0 : index
      %get3A_168 = arith.constant 0 : index
      %get3A_169 = vector.load %arg11[%get3A_167, %get3A_168] : memref<1x1xf32, #tpu.memory_space<vmem>>, vector<1x1xf32>
      %get3A_170 = arith.index_cast %mul3A_0 : i32 to index
      %get3A_171 = arith.constant 0 : index
      %get3A_172 = vector.load %arg9[%get3A_170, %get3A_171] : memref<8192x1xf32, #tpu.memory_space<vmem>>, vector<256x1xf32>
      %reduce_sum3A = vector.shape_cast %get3A_172 : vector<256x1xf32> to vector<1x256x1xf32>
      %reduce_sum3A_173 = arith.constant dense<0.000000e+00> : vector<1xf32>
      %reduce_sum3A_174 = vector.multi_reduction <add>, %reduce_sum3A, %reduce_sum3A_173 [1, 2] : vector<1x256x1xf32> to vector<1xf32>
      %reduce_sum3A_175 = vector.shape_cast %reduce_sum3A_174 : vector<1xf32> to vector<1x1x1xf32>
      %reduce_sum3A_176 = vector.extract %reduce_sum3A_175[0, 0, 0] : f32 from vector<1x1x1xf32>
      %add3A_177 = vector.broadcast %reduce_sum3A_176 : f32 to vector<1x1xf32>
      %add3A_178 = arith.addf %get3A_169, %add3A_177 : vector<1x1xf32>
      %swap3A_179 = arith.constant 0 : index
      %swap3A_180 = arith.constant 0 : index
      %swap3A_181 = vector.load %arg11[%swap3A_179, %swap3A_180] : memref<1x1xf32, #tpu.memory_space<vmem>>, vector<1x1xf32>
      tpu.vector_store %arg11[%swap3A_179, %swap3A_180], %add3A_178 {strides = array<i32>} : memref<1x1xf32, #tpu.memory_space<vmem>>, vector<1x1xf32>,
    } else {
    }
    %eq3A_154 = arith.constant 31 : i32
    %eq3A_155 = arith.cmpi eq, %arg1, %eq3A_154 : i32
    %eq3A_156 = arith.constant 3 : i32
    %eq3A_157 = arith.cmpi eq, %arg0, %eq3A_156 : i32
    %and3A_158 = arith.andi %eq3A_155, %eq3A_157 : i1
    %convert_element_type3A_159 = arith.extui %and3A_158 : i1 to i32
    %cond3A_160 = arith.constant 0 : i32
    %cond3A_161 = arith.cmpi ne, %convert_element_type3A_159, %cond3A_160 : i32
    scf.if %cond3A_161 {
      %get3A_162 = arith.constant 0 : index
      %get3A_163 = arith.constant 0 : index
      %get3A_164 = vector.load %arg11[%get3A_162, %get3A_163] : memref<1x1xf32, #tpu.memory_space<vmem>>, vector<1x1xf32>
      %mul3A_165 = arith.constant 4.76837158E-7 : f32
      %mul3A_166 = vector.broadcast %mul3A_165 : f32 to vector<1x1xf32>
      %mul3A_167 = arith.mulf %get3A_164, %mul3A_166 : vector<1x1xf32>
      %swap3A = arith.constant 0 : index
      %swap3A_168 = arith.constant 0 : index
      %swap3A_169 = vector.load %arg7[%swap3A, %swap3A_168] : memref<1x1xf32, #tpu.memory_space<vmem>>, vector<1x1xf32>
      tpu.vector_store %arg7[%swap3A, %swap3A_168], %mul3A_167 {strides = array<i32>} : memref<1x1xf32, #tpu.memory_space<vmem>>, vector<1x1xf32>,
    } else {
    }
    return
  }
  func.func @transform_0(%arg0: i32, %arg1: i32) -> (i32, i32) {
    %c0_i32 = arith.constant 0 : i32
    %c0_i32_0 = arith.constant 0 : i32
    %c0_i32_1 = arith.constant 0 : i32
    return %c0_i32, %c0_i32_0 : i32, i32
  }
  func.func @transform_1(%arg0: i32, %arg1: i32) -> (i32, i32) {
    %c0_i32 = arith.constant 0 : i32
    %c0_i32_0 = arith.constant 0 : i32
    return %arg0, %c0_i32 : i32, i32
  }
  func.func @transform_2(%arg0: i32, %arg1: i32) -> (i32, i32) {
    %c0_i32 = arith.constant 0 : i32
    %c0_i32_0 = arith.constant 0 : i32
    %c0_i32_1 = arith.constant 0 : i32
    return %c0_i32, %c0_i32_0 : i32, i32
  }
  func.func @transform_3(%arg0: i32, %arg1: i32) -> (i32, i32) {
    %c0_i32 = arith.constant 0 : i32
    %c0_i32_0 = arith.constant 0 : i32
    return %c0_i32, %arg0 : i32, i32
  }
  func.func @transform_4(%arg0: i32, %arg1: i32) -> (i32, i32) {
    %c0_i32 = arith.constant 0 : i32
    %c0_i32_0 = arith.constant 0 : i32
    return %arg1, %c0_i32 : i32, i32
  }
  func.func @transform_5(%arg0: i32, %arg1: i32) -> (i32, i32) {
    %c0_i32 = arith.constant 0 : i32
    %c0_i32_0 = arith.constant 0 : i32
    %c0_i32_1 = arith.constant 0 : i32
    return %c0_i32, %c0_i32_0 : i32, i32
  }
}

</mosaic_0001>

<sc_bundles>
// kernel: kernel.4.cloned.1.call-start
scs
__scs_entry_jumppad:
0x0: {  	(pc) =	sbr.rel $0x88, $3  }
0x1: {  	(tag) =	ssettag $0x0;
	lr =	simm.s32 $0x1  }
0x2: {  	[smem:$0x3F9F] =	sst lr;
	_ =	strace $0xD0000000  }
0x3: {  	_ = 	snop  }
0x4: {  	_ = 	snop  }
0x5: {  	_ = 	snop  }
0x6: {  	_ = 	snop  }
0x7: {  	_ = 	snop  }
__scs_overlays_trampoline_lowered:
0x8: {  	[smem:$0x3FAE] =	sst s0  }
0x9: {  	[smem:$0x3FAF] =	sst s1  }
0xa: {  	[smem:$0x3FB0] =	sst s2  }
0xb: {  	[smem:$0x3FB1] =	sst s3  }
0xc: {  	[smem:$0x3FB2] =	sst s4  }
0xd: {  	[smem:$0x3FB3] =	sst s5  }
0xe: {  	[smem:$0x3FB4] =	sst s6  }
0xf: {  	[smem:$0x3FB5] =	sst s7  }
0x10: {  	[smem:$0x3FB6] =	sst s8  }
0x11: {  	[smem:$0x3FB7] =	sst s9;
	s0 =	simm.s32 @!p0 $0x0  }
0x12: {  	s1 =	sld [smem:$0x3F9D];
	s0 =	simm.s32 @p0 $0x1  }
0x13: {  	[smem:$0x3FB8] =	sst s0;
	s0 =	simm.s32 @!p1 $0x0  }
0x14: {  	s2 =	sld [smem:$0x3F9C];
	s0 =	simm.s32 @p1 $0x1  }
0x15: {  	[smem:$0x3FB9] =	sst s0;
	s0 =	simm.s32 @!p2 $0x0  }
0x16: {  	s3 =	sld [smem:$0x3FDB];
	s0 =	simm.s32 @p2 $0x1  }
0x17: {  	s4 =	simm.s32 $0x1BF5;
	[smem:$0x3FBB] =	sst s0  }
0x18: {  	s0 =	sld [smem:$0x3F9E];
	_ =	swait.ge [sflag:s4], $0x0  }
0x19: {  	s7 =	sld [smem:$0x3F9F]  }
0x1a: {  	s8 =	sadd.s32 $0xFFFFE003, lr  }
0x1b: {  	s9 =	sadd.s32 $0xFFFFFEF7, lr;
	s5 =	simm.s32 $0xFFFFFFFF;
	p2 =	slt.u32 s8, $0xFFFFF086  }
0x1c: {  	p1 =	slt.u32 s9, $0xF7A;
	s5 =	simm.s32 @!p2 $0x0  }
0x1d: {  	s5 =	simm.s32 @p1 $0x1;
	p0 =	seq.s32 s7, s2  }
0x1e: {  	s7 =	smul.u32 @!p0 $0xF7A, s2;
	p2 =	seq.s32 @!p0 s5, $0x0  }
0x1f: {  	s9 =	smul.u32 $0xF7A, s1;
	s8 =	simm.s32 @!p0 $0x1BF5;
	p2 =	por !p2, p0  }
0x20: {  	[sflag:s8] =	ssyncset.s32 @!p0 $0xFFFFF086;
	s6 =	sadd.s32 @!p0 s3, s7;
	s7 =	simm.s32 @!p0 $0x108  }
0x21: {  	s3 =	sadd.s32 s3, s9;
	s6 =	sadd.s32 @!p0 $0x88, s6;
	s7 =	simm.s32 @p2 $0x1082  }
0x22: {  	[simem:s7], [sflag:s8] =	dma.local @!p0 [hbm:s6], $0xF7A  }
0x23: {  	s9 =	sor.u32 $0xD0000000, s2;
	s6 =	simm.s32 $0x108;
	_ =	swait.ge @!p0 [sflag:s8], $0x0  }
0x24: {  	s3 =	sadd.s32 $0x88, s3;
	s6 =	simm.s32 @!p1 $0x1082;
	[sflag:s4] =	ssyncset.s32 $0xFFFFF086  }
0x25: {  	[simem:s6], [sflag:s4] =	dma.local [hbm:s3], $0xF7A  }
0x26: {  	[smem:$0x3F9F] =	sst s1;
	(tag) =	ssettag s2;
	_ =	strace s9  }
0x27: {  	s1 =	sld [smem:$0x3FAF]  }
0x28: {  	s2 =	sld [smem:$0x3FB0]  }
0x29: {  	s4 =	sld [smem:$0x3FB2]  }
0x2a: {  	p0 =	seq.s32 s5, $0x0;
	s5 =	sld [smem:$0x3FB3]  }
0x2b: {  	s6 =	sld [smem:$0x3FB4]  }
0x2c: {  	s7 =	sld [smem:$0x3FB5]  }
0x2d: {  	s3 =	simm.s32 $0x108;
	s8 =	sld [smem:$0x3FB6]  }
0x2e: {  	s3 =	simm.s32 @!p0 $0x1082;
	s9 =	sld [smem:$0x3FB7]  }
0x2f: {  	lr =	sadd.s32 s0, s3;
	s0 =	sld [smem:$0x3FAE]  }
0x30: {  	s3 =	sld [smem:$0x3FB1]  }
0x31: {  	[smem:$0x3FBA] =	sst s10  }
0x32: {  	s10 =	sld [smem:$0x3FB8];
	_ =	sdelay $0x3  }
0x33: {  	p0 =	seq.s32 s10, $0x1;
	s10 =	sld [smem:$0x3FBA];
	_ =	sdelay $0x3  }
0x34: {  	[smem:$0x3FBA] =	sst s10  }
0x35: {  	s10 =	sld [smem:$0x3FB9];
	_ =	sdelay $0x3  }
0x36: {  	p1 =	seq.s32 s10, $0x1;
	s10 =	sld [smem:$0x3FBA];
	_ =	sdelay $0x3  }
0x37: {  	[smem:$0x3FBA] =	sst s10  }
0x38: {  	s10 =	sld [smem:$0x3FBB]  }
0x39: {  	_ = 	snop;
	(pc) =	sbr.ind lr, $3  }
0x3a: {  	_ = 	snop  }
0x3b: {  	_ = 	snop  }
0x3c: {  	p2 =	seq.s32 s10, $0x1;
	s10 =	sld [smem:$0x3FBA]  }
0x3d: {  	_ =	shalt  }
0x3e: {  	_ =	shalt  }
0x3f: {  	_ =	shalt  }
0x40: {  	_ =	shalt  }
0x41: {  	_ =	shalt  }
0x42: {  	_ =	shalt  }
0x43: {  	_ =	shalt  }
0x44: {  	_ =	shalt  }
0x45: {  	_ =	shalt  }
0x46: {  	_ =	shalt  }
0x47: {  	_ =	shalt  }
0x48: {  	_ =	shalt  }
0x49: {  	_ =	shalt  }
0x4a: {  	_ =	shalt  }
0x4b: {  	_ =	shalt  }
0x4c: {  	_ =	shalt  }
0x4d: {  	_ =	shalt  }
0x4e: {  	_ =	shalt  }
0x4f: {  	_ =	shalt  }
0x50: {  	_ =	shalt  }
0x51: {  	_ =	shalt  }
0x52: {  	_ =	shalt  }
0x53: {  	_ =	shalt  }
0x54: {  	_ =	shalt  }
0x55: {  	_ =	shalt  }
0x56: {  	_ =	shalt  }
0x57: {  	_ =	shalt  }
0x58: {  	_ =	shalt  }
0x59: {  	_ =	shalt  }
0x5a: {  	_ =	shalt  }
0x5b: {  	_ =	shalt  }
0x5c: {  	_ =	shalt  }
0x5d: {  	_ =	shalt  }
0x5e: {  	_ =	shalt  }
0x5f: {  	_ =	shalt  }
0x60: {  	_ =	shalt  }
0x61: {  	_ =	shalt  }
0x62: {  	_ =	shalt  }
0x63: {  	_ =	shalt  }
0x64: {  	_ =	shalt  }
0x65: {  	_ =	shalt  }
0x66: {  	_ =	shalt  }
0x67: {  	_ =	shalt  }
0x68: {  	_ =	shalt  }
0x69: {  	_ =	shalt  }
0x6a: {  	_ =	shalt  }
0x6b: {  	_ =	shalt  }
0x6c: {  	_ =	shalt  }
0x6d: {  	_ =	shalt  }
0x6e: {  	_ =	shalt  }
0x6f: {  	_ =	shalt  }
0x70: {  	_ =	shalt  }
0x71: {  	_ =	shalt  }
0x72: {  	_ =	shalt  }
0x73: {  	_ =	shalt  }
0x74: {  	_ =	shalt  }
0x75: {  	_ =	shalt  }
0x76: {  	_ =	shalt  }
0x77: {  	_ =	shalt  }
0x78: {  	_ =	shalt  }
0x79: {  	_ =	shalt  }
0x7a: {  	_ =	shalt  }
0x7b: {  	_ =	shalt  }
0x7c: {  	_ =	shalt  }
0x7d: {  	_ =	shalt  }
0x7e: {  	_ =	shalt  }
0x7f: {  	_ =	shalt  }
0x80: {  	_ =	shalt  }
0x81: {  	_ =	shalt  }
0x82: {  	_ =	shalt  }
0x83: {  	_ =	shalt  }
0x84: {  	_ =	shalt  }
0x85: {  	_ =	shalt  }
0x86: {  	_ =	shalt  }
0x87: {  	_ =	shalt  }
.Lfunc_end0:
.L_simem_size_0:
called_computation_lowered:
.L_overlay_start_0:
0x88: {  	s2 =	sld [smem:$0x3FD9]  }
0x89: {  	s3 =	sld [smem:$0x3FFE];
	_ =	sdelay $0x1  }
0x8a: {  	s1 =	srdreg.scid  }
0x8b: {  	s0 =	sand.u32 $0x1, s1  }
0x8c: {  	s14 =	sshll.u32 s0, $0xA;
	s2 =	sadd.s32 s3, s2  }
0x8d: {  	s2 =	sadd.s32 s2, s14  }
0x8e: {  	[smem:$0x3FC6] =	sst s2  }
0x8f: {  	_ = 	snop  }
0x90: {  	s2 =	sld [smem:$0x3FD0];
	_ =	sdelay $0x2  }
0x91: {  	s4 =	simm.s32 $0xA;
	s5 =	simm.s32 $0x10;
	s15 =	sld [smem:$0x3FC8]  }
0x92: {  	[smem:s5], [sflag:s4] =	dma.local [hbm:s2], $0x1  }
0x93: {  	_ =	swait.eq [sflag:s4], $0x1  }
0x94: {  	[sflag:s4] =	ssyncset.done $0x0  }
0x95: {  	[sflag:s4] =	ssyncadd.s32 $0xFFFFFFFF  }
0x96: {  	s16 =	sld [smem:$0x10];
	(tm) =	ssettm $0x1  }
0x97: {  	s17 =	sld [smem:$0x3FFB];
	_ =	sdelay $0x3  }
0x98: {  	_ =	strace s17  }
0x99: {  	s4 =	sld [smem:$0x3FFC];
	_ =	sdelay $0x3  }
0x9a: {  	_ =	strace s4  }
0x9b: {  	s4 =	sld [smem:$0x3FFD];
	_ =	sdelay $0x3  }
0x9c: {  	_ =	strace s4  }
0x9d: {  	_ =	strace $0x8FFFFFFF  }
0x9e: {  	s18 =	sld [smem:$0x3FDB];
	_ =	sdelay $0x1  }
0x9f: {  	s19 =	simm.s32 $_scs_section_size  }
0xa0: {  	s6 =	simm.s32 $_size__tile_overlayer_lowered;
	s7 =	simm.s32 $_tile_overlayer_lowered  }
0xa1: {  	s22 =	simm.s32 $0x1BFF;
	s21 =	sshll.u32 s7, $0x1;
	s4 =	sadd.s32 s19, s18  }
0xa2: {  	s8 =	simm.s32 $0x0;
	s20 =	sshll.u32 s6, $0x1;
	s6 =	sadd.s32 s21, s4  }
0xa3: {  	[timem:s8], [sflag:s22] =	dma.local [hbm:s6], s20  }
0xa4: {  	_ =	swait.ge [sflag:s22], s20  }
0xa5: {  	s5 =	ssub.s32 $0x0, s20;
	[sflag:s22] =	ssyncset.done $0x0  }
0xa6: {  	[sflag:s22] =	ssyncadd.s32 s5;
	_ =	sdelay $0x1  }
0xa7: {  	s23 =	simm.s32 $0x1B8B  }
0xa8: {  	_ =	swait.ge [sflag:s23], $0x1  }
0xa9: {  	[sflag:s23] =	ssyncset.done $0x0  }
0xaa: {  	s25 =	simm.s32 $0x1B8E;
	s24 =	sld [smem:$0x3FFE];
	[sflag:s23] =	ssyncadd.s32 $0xFFFFFFFF  }
0xab: {  	s26 =	simm.s32 $execute0_lowered;
	[smem:$0x3FD2] =	sst s25  }
0xac: {  	s6 =	sshll.u32 s26, $0x1;
	_ =	strace $0x80000046;
	[dreg:$0x1] =	wrdreg $0xFFFFFFFF  }
0xad: {  	s28 =	simm.s32 $_size_execute0_lowered;
	s4 =	sadd.s32 s4, s6;
	[dreg:$0x0] =	wrdreg $0x0  }
0xae: {  	s6 =	sshll.u32 s28, $0x1;
	[dreg:$0x2] =	wrdreg s4  }
0xaf: {  	[dreg:$0x3] =	wrdreg s6  }
0xb0: {  	[dreg:$0x4] =	wrdreg $0xC0  }
0xb1: {  	_ =	task [dreg:s8], $0x5FFFF  }
0xb2: {  	[dreg:$0x1] =	wrdreg $0xFFFFFFFF  }
0xb3: {  	[dreg:$0x0] =	wrdreg $0x60  }
0xb4: {  	[dreg:$0x2] =	wrdreg s15  }
0xb5: {  	[dreg:$0x3] =	wrdreg s24  }
0xb6: {  	[dreg:$0x4] =	wrdreg s16  }
0xb7: {  	[dreg:$0x5] =	wrdreg $0x9  }
0xb8: {  	_ =	task.clear_ibuf [dreg:s8], $0x6FFFF;
	_ =	strace $0x90000046  }
0xb9: {  	s29 =	simm.s32 $0x9;
	_ =	strace $0x80000048  }
0xba: {  	_ =	swait.ge [sflag:s29], $0x1  }
0xbb: {  	[sflag:s29] =	ssyncadd.s32 $0xFFFFFFFF  }
0xbc: {  	_ =	strace $0x90000048  }
0xbd: {  	_ =	sfence  }
0xbe: {  	s30 =	sld [smem:$0x0];
	_ =	sdelay $0x2  }
0xbf: {  	s31 =	sshll.u32 s1, $0xD;
	s1 =	sshrl.u32 s1, $0x2  }
0xc0: {  	s3 =	sand.u32 $0x4000, s31;
	s1 =	sadd.s32 s1, s30  }
0xc1: {  	s0 =	sor.u32 s3, s0;
	s1 =	sshll.u32 s1, $0x11  }
0xc2: {  	s0 =	sor.u32 s1, s0  }
0xc3: {  	s0 =	sadd.s32 $0x8F2B, s0  }
0xc4: {  	[sflag:s0] =	ssyncadd.remote.s32 $0x1  }
0xc5: {  	_ =	sfence.sel $0xFFFF  }
0xc6: {  	[dreg:$0x0] =	wrdreg $0xFFFFFFFF;
	(pc) =	sbr.abs _section_cstart, $3  }
0xc7: {  	[dreg:$0x1] =	wrdreg $0xFFFFFFFF  }
0xc8: {  	_ =	task.clear_ibuf [dreg:s8], $0x2FFFF;
	_ =	strace $0x9FFFFFFF  }
0xc9: {  	(tm) =	ssettm $0x7FFFFFFF  }
tec
execute0_lowered:
.L_overlay_start_1:
0x0: {  	(tag) =	ssettag $0x1  }
0x1: {  	s1 =	rddreg [dreg:$0x0]  }
0x2: {  	s4 =	rddreg [dreg:$0x1]  }
0x3: {  	s5 =	rddreg [dreg:$0x2]  }
0x4: {  	s0 =	rddreg [dreg:$0x3];
	s6 =	srdreg.scid  }
0x5: {  	s3 =	simm.s32 $0x0;
	s2 =	stileid.u32;
	s10 =	simm.s32 $0x900  }
0x6: {  	s11 =	simm.s32 $0x1100;
	s12 =	simm.s32 $0x1900;
	s13 =	simm.s32 $0x2100  }
0x7: {  	s14 =	simm.s32 $0x2900;
	s15 =	simm.s32 $0x3100;
	s16 =	simm.s32 $0x3900  }
0x8: {  	s17 =	simm.s32 $0x4100;
	s18 =	simm.s32 $0x4900;
	s19 =	simm.s32 $0x5100  }
0x9: {  	s20 =	simm.s32 $0x5900;
	s21 =	simm.s32 $0x6100;
	s22 =	simm.s32 $0x6900  }
0xa: {  	s23 =	simm.s32 $0x7100;
	s24 =	simm.s32 $0x7900;
	s6 =	sand.u32 $0x1, s6  }
0xb: {  	s25 =	simm.s32 $0x1;
	s7 =	sshll.u32 s2, $0x9;
	s8 =	sshll.u32 s6, $0x8  }
0xc: {  	[smem:$0x7FF] =	sst s3;
	s6 =	ssub.s32 $0x2, s6;
	s7 =	sor.u32 s8, s7  }
0xd: {  	_ =	strace $0x80000047;
	s9 =	sshrl.u32 s6, $0x1;
	s8 =	sshrl.u32 s7, $0x3  }
0xe: {  	v2 =	vlaneseq.u32;
	s7 =	sshll.u32 s7, $0x5;
	s9 =	ssub.s32 s6, s9;
	s8 =	sadd.s32 s8, s4  }
0xf: {  	vm0 =	vmmov $0xffff;
	v1 =	vshrl.u32 v2, $0x3;
	s4 =	sadd.s32 s5, s7;
	s7 =	smax.u32 s9, $0x1;
	s9 =	simm.s32 $0x100  }
0x10: {  	v0 =	vand.u32 $0x7, v2;
	v2 =	vor.u32 $0x8, v2;
	v1 =	vmul.u32 $0x8, v1;
	s5 =	sadd.s32 $0x200, s8;
	s6 =	sadd.s32 $0x1000, s4;
	s8 =	simm.s32 $0x2  }
.LBB2_1:
0x11: {  	[tilespmem:s3], [sflag:$0x2] =	stream.linear.gather [hbm4b:s5+s3], $0x100, $0x38;
	[tilespmem:$0x8100] =	vst v63  }
0x12: {  	_ =	swait.ge [sflag:s8], $0x100  }
0x13: {  	[sflag:s8] =	ssyncset.done $0x0  }
0x14: {  	[sflag:s8] =	ssyncadd.s32 $0xFFFFFF00  }
0x15: {  	v3 =	vld [tilespmem:$0x0];
	_ =	sdelay $0x4  }
0x16: {  	v4 =	vshll.u32 v3, $0x1  }
0x17: {  	v3 =	vand.u32 $0x7, v3;
	v4 =	vand.u32 $0xFFFFFFF0, v4  }
0x18: {  	v3 =	vor.u32 v3, v4  }
0x19: {  	v4 =	vperm.xlane v3, v0;
	_ =	sdelay $0x1  }
0x1a: {  	v3 =	vperm.xlane v3, v2;
	v4 =	vadd.s32 v1, v4;
	_ =	sdelay $0x1  }
0x1b: {  	v3 =	vadd.s32 v1, v3;
	_ =	sdelay $0x2  }
0x1c: {  	[tilespmem:s9], [sflag:$0x1] =	stream.indirect_vreg.gather [hbm4b:s1+s3], $0x80, v4, vm0, $0xb8;
	[tilespmem:$0x8100] =	vst v63  }
0x1d: {  	_ = 	snop  }
0x1e: {  	[tilespmem:s10], [sflag:$0x1] =	stream.indirect_vreg.gather [hbm4b:s1+s3], $0x80, v3, vm0, $0xb8;
	[tilespmem:$0x8100] =	vst v63  }
0x1f: {  	v3 =	vld [tilespmem:$0x10];
	_ =	sdelay $0x4  }
0x20: {  	v49 =	vshll.u32 v3, $0x1  }
0x21: {  	v3 =	vand.u32 $0x7, v3;
	v4 =	vand.u32 $0xFFFFFFF0, v49  }
0x22: {  	v3 =	vor.u32 v3, v4  }
0x23: {  	v4 =	vperm.xlane v3, v0;
	_ =	sdelay $0x1  }
0x24: {  	v3 =	vperm.xlane v3, v2;
	v4 =	vadd.s32 v1, v4;
	_ =	sdelay $0x1  }
0x25: {  	v3 =	vadd.s32 v1, v3;
	_ =	sdelay $0x2  }
0x26: {  	[tilespmem:s11], [sflag:$0x1] =	stream.indirect_vreg.gather [hbm4b:s1+s3], $0x80, v4, vm0, $0xb8;
	[tilespmem:$0x8100] =	vst v63  }
0x27: {  	_ = 	snop  }
0x28: {  	[tilespmem:s12], [sflag:$0x1] =	stream.indirect_vreg.gather [hbm4b:s1+s3], $0x80, v3, vm0, $0xb8;
	[tilespmem:$0x8100] =	vst v63  }
0x29: {  	v3 =	vld [tilespmem:$0x20];
	_ =	sdelay $0x4  }
0x2a: {  	v50 =	vshll.u32 v3, $0x1  }
0x2b: {  	v3 =	vand.u32 $0x7, v3;
	v4 =	vand.u32 $0xFFFFFFF0, v50  }
0x2c: {  	v3 =	vor.u32 v3, v4  }
0x2d: {  	v4 =	vperm.xlane v3, v0;
	_ =	sdelay $0x1  }
0x2e: {  	v3 =	vperm.xlane v3, v2;
	v4 =	vadd.s32 v1, v4;
	_ =	sdelay $0x1  }
0x2f: {  	v3 =	vadd.s32 v1, v3;
	_ =	sdelay $0x2  }
0x30: {  	[tilespmem:s13], [sflag:$0x1] =	stream.indirect_vreg.gather [hbm4b:s1+s3], $0x80, v4, vm0, $0xb8;
	[tilespmem:$0x8100] =	vst v63  }
0x31: {  	_ = 	snop  }
0x32: {  	[tilespmem:s14], [sflag:$0x1] =	stream.indirect_vreg.gather [hbm4b:s1+s3], $0x80, v3, vm0, $0xb8;
	[tilespmem:$0x8100] =	vst v63  }
0x33: {  	v3 =	vld [tilespmem:$0x30];
	_ =	sdelay $0x4  }
0x34: {  	v51 =	vshll.u32 v3, $0x1  }
0x35: {  	v3 =	vand.u32 $0x7, v3;
	v4 =	vand.u32 $0xFFFFFFF0, v51  }
0x36: {  	v3 =	vor.u32 v3, v4  }
0x37: {  	v4 =	vperm.xlane v3, v0;
	_ =	sdelay $0x1  }
0x38: {  	v3 =	vperm.xlane v3, v2;
	v4 =	vadd.s32 v1, v4;
	_ =	sdelay $0x1  }
0x39: {  	v3 =	vadd.s32 v1, v3;
	_ =	sdelay $0x2  }
0x3a: {  	[tilespmem:s15], [sflag:$0x1] =	stream.indirect_vreg.gather [hbm4b:s1+s3], $0x80, v4, vm0, $0xb8;
	[tilespmem:$0x8100] =	vst v63  }
0x3b: {  	_ = 	snop  }
0x3c: {  	[tilespmem:s16], [sflag:$0x1] =	stream.indirect_vreg.gather [hbm4b:s1+s3], $0x80, v3, vm0, $0xb8;
	[tilespmem:$0x8100] =	vst v63  }
0x3d: {  	v3 =	vld [tilespmem:$0x40];
	_ =	sdelay $0x4  }
0x3e: {  	v52 =	vshll.u32 v3, $0x1  }
0x3f: {  	v3 =	vand.u32 $0x7, v3;
	v4 =	vand.u32 $0xFFFFFFF0, v52  }
0x40: {  	v3 =	vor.u32 v3, v4  }
0x41: {  	v4 =	vperm.xlane v3, v0;
	_ =	sdelay $0x1  }
0x42: {  	v3 =	vperm.xlane v3, v2;
	v4 =	vadd.s32 v1, v4;
	_ =	sdelay $0x1  }
0x43: {  	v3 =	vadd.s32 v1, v3;
	_ =	sdelay $0x2  }
0x44: {  	[tilespmem:s17], [sflag:$0x1] =	stream.indirect_vreg.gather [hbm4b:s1+s3], $0x80, v4, vm0, $0xb8;
	[tilespmem:$0x8100] =	vst v63  }
0x45: {  	_ = 	snop  }
0x46: {  	[tilespmem:s18], [sflag:$0x1] =	stream.indirect_vreg.gather [hbm4b:s1+s3], $0x80, v3, vm0, $0xb8;
	[tilespmem:$0x8100] =	vst v63  }
0x47: {  	v3 =	vld [tilespmem:$0x50];
	_ =	sdelay $0x4  }
0x48: {  	v53 =	vshll.u32 v3, $0x1  }
0x49: {  	v3 =	vand.u32 $0x7, v3;
	v4 =	vand.u32 $0xFFFFFFF0, v53  }
0x4a: {  	v3 =	vor.u32 v3, v4  }
0x4b: {  	v4 =	vperm.xlane v3, v0;
	_ =	sdelay $0x1  }
0x4c: {  	v3 =	vperm.xlane v3, v2;
	v4 =	vadd.s32 v1, v4;
	_ =	sdelay $0x1  }
0x4d: {  	v3 =	vadd.s32 v1, v3;
	_ =	sdelay $0x2  }
0x4e: {  	[tilespmem:s19], [sflag:$0x1] =	stream.indirect_vreg.gather [hbm4b:s1+s3], $0x80, v4, vm0, $0xb8;
	[tilespmem:$0x8100] =	vst v63  }
0x4f: {  	_ = 	snop  }
0x50: {  	[tilespmem:s20], [sflag:$0x1] =	stream.indirect_vreg.gather [hbm4b:s1+s3], $0x80, v3, vm0, $0xb8;
	[tilespmem:$0x8100] =	vst v63  }
0x51: {  	v3 =	vld [tilespmem:$0x60];
	_ =	sdelay $0x4  }
0x52: {  	v54 =	vshll.u32 v3, $0x1  }
0x53: {  	v3 =	vand.u32 $0x7, v3;
	v4 =	vand.u32 $0xFFFFFFF0, v54  }
0x54: {  	v3 =	vor.u32 v3, v4  }
0x55: {  	v4 =	vperm.xlane v3, v0;
	_ =	sdelay $0x1  }
0x56: {  	v3 =	vperm.xlane v3, v2;
	v4 =	vadd.s32 v1, v4;
	_ =	sdelay $0x1  }
0x57: {  	v3 =	vadd.s32 v1, v3;
	_ =	sdelay $0x2  }
0x58: {  	[tilespmem:s21], [sflag:$0x1] =	stream.indirect_vreg.gather [hbm4b:s1+s3], $0x80, v4, vm0, $0xb8;
	[tilespmem:$0x8100] =	vst v63  }
0x59: {  	_ = 	snop  }
0x5a: {  	[tilespmem:s22], [sflag:$0x1] =	stream.indirect_vreg.gather [hbm4b:s1+s3], $0x80, v3, vm0, $0xb8;
	[tilespmem:$0x8100] =	vst v63  }
0x5b: {  	v3 =	vld [tilespmem:$0x70];
	_ =	sdelay $0x4  }
0x5c: {  	v55 =	vshll.u32 v3, $0x1  }
0x5d: {  	v3 =	vand.u32 $0x7, v3;
	v4 =	vand.u32 $0xFFFFFFF0, v55  }
0x5e: {  	v3 =	vor.u32 v3, v4  }
0x5f: {  	v4 =	vperm.xlane v3, v0;
	_ =	sdelay $0x1  }
0x60: {  	v3 =	vperm.xlane v3, v2;
	v4 =	vadd.s32 v1, v4;
	_ =	sdelay $0x1  }
0x61: {  	v3 =	vadd.s32 v1, v3;
	_ =	sdelay $0x2  }
0x62: {  	[tilespmem:s23], [sflag:$0x1] =	stream.indirect_vreg.gather [hbm4b:s1+s3], $0x80, v4, vm0, $0xb8;
	[tilespmem:$0x8100] =	vst v63  }
0x63: {  	_ = 	snop  }
0x64: {  	[tilespmem:s24], [sflag:$0x1] =	stream.indirect_vreg.gather [hbm4b:s1+s3], $0x80, v3, vm0, $0xb8;
	[tilespmem:$0x8100] =	vst v63  }
0x65: {  	_ =	swait.ge [sflag:s25], $0x8000  }
0x66: {  	[sflag:s25] =	ssyncset.done $0x0  }
0x67: {  	[sflag:s25] =	ssyncadd.s32 $0xFFFF8000  }
0x68: {  	[hbm4b:s4+s3] =	stream.linear.scatter [tilespmem:s9], [sflag:$0x2], $0x8000, $0x38;
	[tilespmem:$0x8100] =	vst v63  }
0x69: {  	_ =	swait.ge [sflag:s8], $0x8000  }
0x6a: {  	[sflag:s8] =	ssyncset.done $0x0  }
0x6b: {  	[sflag:s8] =	ssyncadd.s32 $0xFFFF8000  }
0x6c: {  	v3 =	vld [tilespmem:$0x80];
	_ =	sdelay $0x4  }
0x6d: {  	v56 =	vshll.u32 v3, $0x1  }
0x6e: {  	v3 =	vand.u32 $0x7, v3;
	v4 =	vand.u32 $0xFFFFFFF0, v56  }
0x6f: {  	v3 =	vor.u32 v3, v4  }
0x70: {  	v4 =	vperm.xlane v3, v0;
	_ =	sdelay $0x1  }
0x71: {  	v3 =	vperm.xlane v3, v2;
	v4 =	vadd.s32 v1, v4;
	_ =	sdelay $0x1  }
0x72: {  	v3 =	vadd.s32 v1, v3;
	_ =	sdelay $0x2  }
0x73: {  	[tilespmem:s9], [sflag:$0x1] =	stream.indirect_vreg.gather [hbm4b:s1+s3], $0x80, v4, vm0, $0xb8;
	[tilespmem:$0x8100] =	vst v63  }
0x74: {  	_ = 	snop  }
0x75: {  	[tilespmem:s10], [sflag:$0x1] =	stream.indirect_vreg.gather [hbm4b:s1+s3], $0x80, v3, vm0, $0xb8;
	[tilespmem:$0x8100] =	vst v63  }
0x76: {  	v3 =	vld [tilespmem:$0x90];
	_ =	sdelay $0x4  }
0x77: {  	v57 =	vshll.u32 v3, $0x1  }
0x78: {  	v3 =	vand.u32 $0x7, v3;
	v4 =	vand.u32 $0xFFFFFFF0, v57  }
0x79: {  	v3 =	vor.u32 v3, v4  }
0x7a: {  	v4 =	vperm.xlane v3, v0;
	_ =	sdelay $0x1  }
0x7b: {  	v3 =	vperm.xlane v3, v2;
	v4 =	vadd.s32 v1, v4;
	_ =	sdelay $0x1  }
0x7c: {  	v3 =	vadd.s32 v1, v3;
	_ =	sdelay $0x2  }
0x7d: {  	[tilespmem:s11], [sflag:$0x1] =	stream.indirect_vreg.gather [hbm4b:s1+s3], $0x80, v4, vm0, $0xb8;
	[tilespmem:$0x8100] =	vst v63  }
0x7e: {  	_ = 	snop  }
0x7f: {  	[tilespmem:s12], [sflag:$0x1] =	stream.indirect_vreg.gather [hbm4b:s1+s3], $0x80, v3, vm0, $0xb8;
	[tilespmem:$0x8100] =	vst v63  }
0x80: {  	v3 =	vld [tilespmem:$0xA0];
	_ =	sdelay $0x4  }
0x81: {  	v58 =	vshll.u32 v3, $0x1  }
0x82: {  	v3 =	vand.u32 $0x7, v3;
	v4 =	vand.u32 $0xFFFFFFF0, v58  }
0x83: {  	v3 =	vor.u32 v3, v4  }
0x84: {  	v4 =	vperm.xlane v3, v0;
	_ =	sdelay $0x1  }
0x85: {  	v3 =	vperm.xlane v3, v2;
	v4 =	vadd.s32 v1, v4;
	_ =	sdelay $0x1  }
0x86: {  	v3 =	vadd.s32 v1, v3;
	_ =	sdelay $0x2  }
0x87: {  	[tilespmem:s13], [sflag:$0x1] =	stream.indirect_vreg.gather [hbm4b:s1+s3], $0x80, v4, vm0, $0xb8;
	[tilespmem:$0x8100] =	vst v63  }
0x88: {  	_ = 	snop  }
0x89: {  	[tilespmem:s14], [sflag:$0x1] =	stream.indirect_vreg.gather [hbm4b:s1+s3], $0x80, v3, vm0, $0xb8;
	[tilespmem:$0x8100] =	vst v63  }
0x8a: {  	v3 =	vld [tilespmem:$0xB0];
	_ =	sdelay $0x4  }
0x8b: {  	v59 =	vshll.u32 v3, $0x1  }
0x8c: {  	v3 =	vand.u32 $0x7, v3;
	v4 =	vand.u32 $0xFFFFFFF0, v59  }
0x8d: {  	v3 =	vor.u32 v3, v4  }
0x8e: {  	v4 =	vperm.xlane v3, v0;
	_ =	sdelay $0x1  }
0x8f: {  	v3 =	vperm.xlane v3, v2;
	v4 =	vadd.s32 v1, v4;
	_ =	sdelay $0x1  }
0x90: {  	v3 =	vadd.s32 v1, v3;
	_ =	sdelay $0x2  }
0x91: {  	[tilespmem:s15], [sflag:$0x1] =	stream.indirect_vreg.gather [hbm4b:s1+s3], $0x80, v4, vm0, $0xb8;
	[tilespmem:$0x8100] =	vst v63  }
0x92: {  	_ = 	snop  }
0x93: {  	[tilespmem:s16], [sflag:$0x1] =	stream.indirect_vreg.gather [hbm4b:s1+s3], $0x80, v3, vm0, $0xb8;
	[tilespmem:$0x8100] =	vst v63  }
0x94: {  	v3 =	vld [tilespmem:$0xC0];
	_ =	sdelay $0x4  }
0x95: {  	v60 =	vshll.u32 v3, $0x1  }
0x96: {  	v3 =	vand.u32 $0x7, v3;
	v4 =	vand.u32 $0xFFFFFFF0, v60  }
0x97: {  	v3 =	vor.u32 v3, v4  }
0x98: {  	v4 =	vperm.xlane v3, v0;
	_ =	sdelay $0x1  }
0x99: {  	v3 =	vperm.xlane v3, v2;
	v4 =	vadd.s32 v1, v4;
	_ =	sdelay $0x1  }
0x9a: {  	v3 =	vadd.s32 v1, v3;
	_ =	sdelay $0x2  }
0x9b: {  	[tilespmem:s17], [sflag:$0x1] =	stream.indirect_vreg.gather [hbm4b:s1+s3], $0x80, v4, vm0, $0xb8;
	[tilespmem:$0x8100] =	vst v63  }
0x9c: {  	_ = 	snop  }
0x9d: {  	[tilespmem:s18], [sflag:$0x1] =	stream.indirect_vreg.gather [hbm4b:s1+s3], $0x80, v3, vm0, $0xb8;
	[tilespmem:$0x8100] =	vst v63  }
0x9e: {  	v3 =	vld [tilespmem:$0xD0];
	_ =	sdelay $0x4  }
0x9f: {  	v61 =	vshll.u32 v3, $0x1  }
0xa0: {  	v3 =	vand.u32 $0x7, v3;
	v4 =	vand.u32 $0xFFFFFFF0, v61  }
0xa1: {  	v3 =	vor.u32 v3, v4  }
0xa2: {  	v4 =	vperm.xlane v3, v0;
	_ =	sdelay $0x1  }
0xa3: {  	v3 =	vperm.xlane v3, v2;
	v4 =	vadd.s32 v1, v4;
	_ =	sdelay $0x1  }
0xa4: {  	v3 =	vadd.s32 v1, v3;
	_ =	sdelay $0x2  }
0xa5: {  	[tilespmem:s19], [sflag:$0x1] =	stream.indirect_vreg.gather [hbm4b:s1+s3], $0x80, v4, vm0, $0xb8;
	[tilespmem:$0x8100] =	vst v63  }
0xa6: {  	_ = 	snop  }
0xa7: {  	[tilespmem:s20], [sflag:$0x1] =	stream.indirect_vreg.gather [hbm4b:s1+s3], $0x80, v3, vm0, $0xb8;
	[tilespmem:$0x8100] =	vst v63  }
0xa8: {  	v3 =	vld [tilespmem:$0xE0];
	_ =	sdelay $0x4  }
0xa9: {  	v62 =	vshll.u32 v3, $0x1  }
0xaa: {  	v3 =	vand.u32 $0x7, v3;
	v4 =	vand.u32 $0xFFFFFFF0, v62  }
0xab: {  	v3 =	vor.u32 v3, v4  }
0xac: {  	v4 =	vperm.xlane v3, v0;
	_ =	sdelay $0x1  }
0xad: {  	v3 =	vperm.xlane v3, v2;
	v4 =	vadd.s32 v1, v4;
	_ =	sdelay $0x1  }
0xae: {  	v3 =	vadd.s32 v1, v3;
	_ =	sdelay $0x2  }
0xaf: {  	[tilespmem:s21], [sflag:$0x1] =	stream.indirect_vreg.gather [hbm4b:s1+s3], $0x80, v4, vm0, $0xb8;
	[tilespmem:$0x8100] =	vst v63  }
0xb0: {  	_ = 	snop  }
0xb1: {  	[tilespmem:s22], [sflag:$0x1] =	stream.indirect_vreg.gather [hbm4b:s1+s3], $0x80, v3, vm0, $0xb8;
	[tilespmem:$0x8100] =	vst v63  }
0xb2: {  	v3 =	vld [tilespmem:$0xF0];
	_ =	sdelay $0x4  }
0xb3: {  	v63 =	vshll.u32 v3, $0x1  }
0xb4: {  	v3 =	vand.u32 $0x7, v3;
	v4 =	vand.u32 $0xFFFFFFF0, v63  }
0xb5: {  	v3 =	vor.u32 v3, v4  }
0xb6: {  	v4 =	vperm.xlane v3, v0;
	_ =	sdelay $0x1  }
0xb7: {  	v3 =	vperm.xlane v3, v2;
	v4 =	vadd.s32 v1, v4;
	_ =	sdelay $0x1  }
0xb8: {  	v3 =	vadd.s32 v1, v3;
	_ =	sdelay $0x2  }
0xb9: {  	[tilespmem:s23], [sflag:$0x1] =	stream.indirect_vreg.gather [hbm4b:s1+s3], $0x80, v4, vm0, $0xb8;
	[tilespmem:$0x8100] =	vst v63  }
0xba: {  	_ = 	snop  }
0xbb: {  	[tilespmem:s24], [sflag:$0x1] =	stream.indirect_vreg.gather [hbm4b:s1+s3], $0x80, v3, vm0, $0xb8;
	[tilespmem:$0x8100] =	vst v63  }
0xbc: {  	_ =	swait.ge [sflag:s25], $0x8000  }
0xbd: {  	p0 =	sne.s32 s7, $0x1;
	[sflag:s25] =	ssyncset.done $0x0  }
.Ltmp0:
0xbe: {  	[sflag:s25] =	ssyncadd.s32 $0xFFFF8000;
	(pc) =	sbr.rel @p0 .LBB2_1-.Ltmp0, $4  }
0xbf: {  	[hbm4b:s6+s3] =	stream.linear.scatter [tilespmem:s9], [sflag:$0x2], $0x8000, $0x38;
	[tilespmem:$0x8100] =	vst v63  }
0xc0: {  	_ =	swait.ge [sflag:s8], $0x8000  }
0xc1: {  	[sflag:s8] =	ssyncset.done $0x0  }
0xc2: {  	s7 =	sadd.s32 $0xFFFFFFFF, s7;
	[sflag:s8] =	ssyncadd.s32 $0xFFFF8000  }
0xc3: {  	_ =	sfence.sel $0x180000  }
0xc4: {  	[bflag:$0x0] =	sbarrier.arrive $0xFFFF  }
0xc5: {  	p0 =	sne.s32 s2, $0x0;
	_ =	strace $0x90000047  }
0xc6: {  	s0 =	sadd.s32 @!p0 $0x100000, s0;
	[bflag:$0x2] =	sbarrier.arrive $0xFFFF  }
0xc7: {  	[sflag:s0] =	ssyncadd.tile.s32 @!p0 $0x1;
	_ =	shalt  }
.Lfunc_end2:
_tile_overlayer_lowered:
.L_overlay_start_2:
0xc8: {  	(tag) =	ssettag $0x2  }
0xc9: {  	s0 =	rddreg [dreg:$0x0];
	s2 =	stileid.u32  }
0xca: {  	s1 =	rddreg [dreg:$0x1];
	p0 =	sne.s32 s2, $0x0  }
0xcb: {  	s3 =	rddreg [dreg:$0x2];
	[bflag:$0x3] =	sbarrier.arrive $0xFFFF;
	s2 =	simm.s32 @!p0 $0x1C02  }
0xcc: {  	[timem:s3], [sflag:s2] =	dma.local @!p0 [hbm:s0], s1  }
0xcd: {  	s0 =	simm.s32 @!p0 $0x2  }
0xce: {  	_ =	swait.ge @!p0 [sflag:s0], s1  }
0xcf: {  	s1 =	ssub.s32 @!p0 $0x0, s1;
	[sflag:s0] =	ssyncset.done @!p0 $0x0  }
0xd0: {  	[sflag:s0] =	ssyncadd.s32 @!p0 s1  }
0xd1: {  	[bflag:$0x3] =	sbarrier.arrive $0xFFFF  }
0xd2: {  	_ =	shalt  }

</sc_bundles>
